<compile_context>
chip_gen: v7x
topology: tpu7x:2x2x1
jax: 0.10.2.dev20260603
libtpu: 0.0.44.dev20260713+nightly
codegen_flags: <defaults>
</compile_context>

<pallas_src>
import functools

import jax
import jax.numpy as jnp
from jax import lax
from jax.experimental import pallas as pl
from jax.experimental.pallas import tpu as pltpu
from jax.experimental.pallas import tpu_sc as plsc

N_ROWS = 1000000
EMB_DIM = 16
HIDDEN_DIM = 128
BATCH = 16384

WIDE = 128
PACK = WIDE // EMB_DIM

NC, NS = 2, 16
NW = NC * NS
BPW = BATCH // NW
CHUNK = 128
NCH = BPW // CHUNK

MLP_BLK = 2048
TP_BLK = 8192


def _transpose_pack_body(x_ref, o_ref):
    xt = jnp.swapaxes(x_ref[...], 0, 1)
    x3 = xt.reshape(TP_BLK // PACK, PACK, EMB_DIM)
    o_ref[...] = jnp.concatenate([x3[:, j, :] for j in range(PACK)], axis=1)


def _transpose_pack_call(tT):
    return pl.pallas_call(
        _transpose_pack_body,
        grid=(pl.cdiv(N_ROWS, TP_BLK),),
        in_specs=[pl.BlockSpec((EMB_DIM, TP_BLK), lambda j: (0, j))],
        out_specs=pl.BlockSpec((TP_BLK // PACK, WIDE), lambda j: (j, 0)),
        out_shape=jax.ShapeDtypeStruct((N_ROWS // PACK, WIDE), jnp.float32),
    )(tT)


def _gather_body(user_hbm, item_hbm, u2_hbm, i2_hbm, ue_hbm, ie_hbm,
                 idx_u, idx_i, rows, sem):
    wid = lax.axis_index("s") * NC + lax.axis_index("c")
    base = wid * BPW
    pltpu.sync_copy(u2_hbm.at[pl.ds(wid * NCH, NCH)], idx_u)
    pltpu.sync_copy(i2_hbm.at[pl.ds(wid * NCH, NCH)], idx_i)
    copies = []
    for j in range(NCH):
        copies.append(pltpu.async_copy(
            user_hbm.at[idx_u.at[j]], rows.at[pl.ds(j * CHUNK, CHUNK)], sem))
    for c in copies:
        c.wait()
    pltpu.sync_copy(rows, ue_hbm.at[pl.ds(base, BPW)])
    copies = []
    for j in range(NCH):
        copies.append(pltpu.async_copy(
            item_hbm.at[idx_i.at[j]], rows.at[pl.ds(j * CHUNK, CHUNK)], sem))
    for c in copies:
        c.wait()
    pltpu.sync_copy(rows, ie_hbm.at[pl.ds(base, BPW)])


def _mlp_body(su_ref, si_ref, uw_ref, iw_ref, w1u_ref, w1i_ref, b1_ref,
              w2_ref, b2_ref, out_ref):
    grp = lax.broadcasted_iota(jnp.int32, (MLP_BLK, WIDE), 1) // EMB_DIM
    xu = jnp.where(grp == su_ref[...], uw_ref[...], 0.0)
    xi = jnp.where(grp == si_ref[...], iw_ref[...], 0.0)
    h = (jnp.dot(xu, w1u_ref[...], preferred_element_type=jnp.float32)
         + jnp.dot(xi, w1i_ref[...], preferred_element_type=jnp.float32)
         + b1_ref[...])
    h = jnp.maximum(h, 0.0)
    out_ref[...] = jnp.sum(h * w2_ref[...], axis=1) + b2_ref[0, 0]


def _gather_call(uw, iw, u2, i2):
    return pl.kernel(
        _gather_body,
        mesh=plsc.VectorSubcoreMesh(core_axis_name="c", subcore_axis_name="s"),
        compiler_params=pltpu.CompilerParams(use_tc_tiling_on_sc=False),
        out_type=[jax.ShapeDtypeStruct((BATCH, WIDE), jnp.float32),
                  jax.ShapeDtypeStruct((BATCH, WIDE), jnp.float32)],
        scratch_types=[
            pltpu.VMEM((NCH, CHUNK), jnp.int32),
            pltpu.VMEM((NCH, CHUNK), jnp.int32),
            pltpu.VMEM((BPW, WIDE), jnp.float32),
            pltpu.SemaphoreType.DMA,
        ],
    )(uw, iw, u2, i2)


def _mlp_call(su, si, uew, iew, w1u_rep, w1i_rep, b1r, w2r, b2r):
    return pl.pallas_call(
        _mlp_body,
        grid=(BATCH // MLP_BLK,),
        in_specs=[
            pl.BlockSpec((MLP_BLK, 1), lambda j: (j, 0)),
            pl.BlockSpec((MLP_BLK, 1), lambda j: (j, 0)),
            pl.BlockSpec((MLP_BLK, WIDE), lambda j: (j, 0)),
            pl.BlockSpec((MLP_BLK, WIDE), lambda j: (j, 0)),
            pl.BlockSpec((WIDE, HIDDEN_DIM), lambda j: (0, 0)),
            pl.BlockSpec((WIDE, HIDDEN_DIM), lambda j: (0, 0)),
            pl.BlockSpec((1, HIDDEN_DIM), lambda j: (0, 0)),
            pl.BlockSpec((1, HIDDEN_DIM), lambda j: (0, 0)),
            pl.BlockSpec((1, 1), lambda j: (0, 0)),
        ],
        out_specs=pl.BlockSpec((MLP_BLK,), lambda j: (j,)),
        out_shape=jax.ShapeDtypeStruct((BATCH,), jnp.float32),
    )(su, si, uew, iew, w1u_rep, w1i_rep, b1r, w2r, b2r)


def kernel(u, i, user_emb, item_emb, W1, b1, W2, b2):
    uw = _transpose_pack_call(user_emb.T)
    iw = _transpose_pack_call(item_emb.T)
    u32 = u.astype(jnp.int32)
    i32 = i.astype(jnp.int32)
    u2 = (u32 >> 3).reshape(BATCH // CHUNK, CHUNK)
    i2 = (i32 >> 3).reshape(BATCH // CHUNK, CHUNK)
    ue_w, ie_w = _gather_call(uw, iw, u2, i2)
    su = (u32 & 7).reshape(BATCH, 1)
    si = (i32 & 7).reshape(BATCH, 1)
    w1u_rep = jnp.tile(W1[:EMB_DIM], (PACK, 1))
    w1i_rep = jnp.tile(W1[EMB_DIM:], (PACK, 1))
    b1r = b1.reshape(1, HIDDEN_DIM)
    w2r = W2.reshape(1, HIDDEN_DIM)
    b2r = b2.reshape(1, 1)
    return _mlp_call(su, si, ue_w, ie_w, w1u_rep, w1i_rep, b1r, w2r, b2r)

# --- scband reference (transcript-rebuilt; emitter-appended) ---
"""Pipeline reference for scband-neural-mf-80882824118654 (READ-ONLY COPY).

The authoritative reference and input builder live on the scoring server;
editing this copy changes nothing except your own understanding.
"""

import jax, jax.numpy as jnp
import numpy as np

N_USERS = 1000000
N_ITEMS = 1000000
EMB_DIM = 16
HIDDEN_DIM = 128
BATCH = 16384


def setup_inputs(seed: int = 0) -> dict:
    key = jax.random.key(seed)
    k_u, k_i, k_ue, k_ie, k_w1, k_b1, k_w2, k_b2 = jax.random.split(key, 8)
    u = jax.random.randint(k_u, (BATCH,), 0, N_USERS, dtype=jnp.int64 if jax.config.jax_enable_x64 else jnp.int32)
    i = jax.random.randint(k_i, (BATCH,), 0, N_ITEMS, dtype=jnp.int64 if jax.config.jax_enable_x64 else jnp.int32)
    user_emb = jax.random.normal(k_ue, (N_USERS, EMB_DIM), dtype=jnp.float32) * 0.01
    item_emb = jax.random.normal(k_ie, (N_ITEMS, EMB_DIM), dtype=jnp.float32) * 0.01
    # Linear layers: PyTorch default init (uniform over +-1/sqrt(fan_in))
    fan1 = EMB_DIM * 2
    lim1 = 1.0 / np.sqrt(fan1)
    W1 = jax.random.uniform(k_w1, (fan1, HIDDEN_DIM), dtype=jnp.float32, minval=-lim1, maxval=lim1)
    b1 = jax.random.uniform(k_b1, (HIDDEN_DIM,), dtype=jnp.float32, minval=-lim1, maxval=lim1)
    lim2 = 1.0 / np.sqrt(HIDDEN_DIM)
    W2 = jax.random.uniform(k_w2, (HIDDEN_DIM, 1), dtype=jnp.float32, minval=-lim2, maxval=lim2)
    b2 = jax.random.uniform(k_b2, (1,), dtype=jnp.float32, minval=-lim2, maxval=lim2)
    return {"u": u, "i": i, "user_emb": user_emb, "item_emb": item_emb, "W1": W1, "b1": b1, "W2": W2, "b2": b2}


def reference(u, i, user_emb, item_emb, W1, b1, W2, b2):
    ue = jnp.take(user_emb, u, axis=0)          # [B, emb_dim] gather
    ie = jnp.take(item_emb, i, axis=0)          # [B, emb_dim] gather
    x = jnp.concatenate([ue, ie], axis=1)       # [B, 2*emb_dim]
    h = jnp.dot(x, W1) + b1                     # Linear
    h = jax.nn.relu(h)
    # Dropout is identity in eval mode
    logit = jnp.dot(h, W2) + b2                 # [B, 1]
    return jnp.squeeze(logit, axis=1)           # [B]

if __name__ == "__main__":
    import jax
    _d = setup_inputs()
    print(jax.jit(kernel)(*tuple(_d.values())))

</pallas_src>

<mosaic_0001>
#map = affine_map<(d0, d1) -> (0, 0)>
module attributes {stable_mosaic.version = 14 : i64} {
  func.func @_gather_body(%arg0: i32, %arg1: i32, %arg2: memref<125000x128xf32, #tpu.memory_space<hbm>>, %arg3: memref<125000x128xf32, #tpu.memory_space<hbm>>, %arg4: memref<128x128xi32, #tpu.memory_space<hbm>>, %arg5: memref<128x128xi32, #tpu.memory_space<hbm>>, %arg6: memref<16384x128xf32, #tpu.memory_space<hbm>>, %arg7: memref<16384x128xf32, #tpu.memory_space<hbm>>, %arg8: memref<4x128xi32, #tpu.memory_space<vmem>>, %arg9: memref<4x128xi32, #tpu.memory_space<vmem>>, %arg10: memref<512x128xf32, #tpu.memory_space<vmem>>, %arg11: memref<!tpu.dma_semaphore, #tpu.memory_space<semaphore_mem>>) attributes {dimension_semantics = [#tpu.dimension_semantics<core_parallel>, #tpu.dimension_semantics<subcore_parallel>], iteration_bounds = array<i64: 2, 16>, scalar_prefetch = 0 : i64, scratch_operands = 4 : i64, tpu.core_type = #tpu.core_type<sc_vector_subcore>, window_params = [{transform_indices = #map}, {transform_indices = #map}, {transform_indices = #map}, {transform_indices = #map}, {transform_indices = #map}, {transform_indices = #map}]} {
    %mul3A = arith.constant 2 : i32
    %mul3A_0 = arith.muli %arg1, %mul3A : i32
    %add3A = arith.addi %mul3A_0, %arg0 : i32
    %mul3A_1 = arith.constant 512 : i32
    %mul3A_2 = arith.muli %add3A, %mul3A_1 : i32
    %mul3A_3 = arith.constant 4 : i32
    %mul3A_4 = arith.muli %add3A, %mul3A_3 : i32
    "tpu.region"() ({
      %run_scoped3A = tpu.sem_alloc : memref<!tpu.dma_semaphore, #tpu.memory_space<semaphore_mem>>
      %dma_start3A_165 = arith.constant 0 : i32
      %dma_start3A_166 = tpu.memref_slice %arg4[%mul3A_4, %dma_start3A_165] : memref<128x128xi32, #tpu.memory_space<hbm>> -> memref<4x128xi32, #tpu.memory_space<hbm>>
      %dma_start3A_167 = arith.constant 0 : i32
      %dma_start3A_168 = tpu.memref_slice %arg4[%mul3A_4, %dma_start3A_167] : memref<128x128xi32, #tpu.memory_space<hbm>> -> memref<4x128xi32, #tpu.memory_space<hbm>>
      tpu.enqueue_dma source(%dma_start3A_168 : memref<4x128xi32, #tpu.memory_space<hbm>>) target(%arg8 : memref<4x128xi32, #tpu.memory_space<vmem>>) target_semaphore(%run_scoped3A : memref<!tpu.dma_semaphore, #tpu.memory_space<semaphore_mem>>)
      %dma_wait3A_169 = arith.constant 0 : i32
      %dma_wait3A_170 = tpu.memref_slice %arg4[%mul3A_4, %dma_wait3A_169] : memref<128x128xi32, #tpu.memory_space<hbm>> -> memref<4x128xi32, #tpu.memory_space<hbm>>
      %dma_wait3A_171 = arith.constant 0 : i32
      %dma_wait3A_172 = tpu.memref_slice %arg4[%mul3A_4, %dma_wait3A_171] : memref<128x128xi32, #tpu.memory_space<hbm>> -> memref<4x128xi32, #tpu.memory_space<hbm>>
      tpu.wait_dma2 semaphore(%run_scoped3A : memref<!tpu.dma_semaphore, #tpu.memory_space<semaphore_mem>>) src(%dma_wait3A_172 : memref<4x128xi32, #tpu.memory_space<hbm>>) dst(%arg8 : memref<4x128xi32, #tpu.memory_space<vmem>>)
      tpu.yield
    }) : () -> ()
    %mul3A_5 = arith.constant 4 : i32
    %mul3A_6 = arith.muli %add3A, %mul3A_5 : i32
    "tpu.region"() ({
      %run_scoped3A = tpu.sem_alloc : memref<!tpu.dma_semaphore, #tpu.memory_space<semaphore_mem>>
      %dma_start3A_165 = arith.constant 0 : i32
      %dma_start3A_166 = tpu.memref_slice %arg5[%mul3A_6, %dma_start3A_165] : memref<128x128xi32, #tpu.memory_space<hbm>> -> memref<4x128xi32, #tpu.memory_space<hbm>>
      %dma_start3A_167 = arith.constant 0 : i32
      %dma_start3A_168 = tpu.memref_slice %arg5[%mul3A_6, %dma_start3A_167] : memref<128x128xi32, #tpu.memory_space<hbm>> -> memref<4x128xi32, #tpu.memory_space<hbm>>
      tpu.enqueue_dma source(%dma_start3A_168 : memref<4x128xi32, #tpu.memory_space<hbm>>) target(%arg9 : memref<4x128xi32, #tpu.memory_space<vmem>>) target_semaphore(%run_scoped3A : memref<!tpu.dma_semaphore, #tpu.memory_space<semaphore_mem>>)
      %dma_wait3A_169 = arith.constant 0 : i32
      %dma_wait3A_170 = tpu.memref_slice %arg5[%mul3A_6, %dma_wait3A_169] : memref<128x128xi32, #tpu.memory_space<hbm>> -> memref<4x128xi32, #tpu.memory_space<hbm>>
      %dma_wait3A_171 = arith.constant 0 : i32
      %dma_wait3A_172 = tpu.memref_slice %arg5[%mul3A_6, %dma_wait3A_171] : memref<128x128xi32, #tpu.memory_space<hbm>> -> memref<4x128xi32, #tpu.memory_space<hbm>>
      tpu.wait_dma2 semaphore(%run_scoped3A : memref<!tpu.dma_semaphore, #tpu.memory_space<semaphore_mem>>) src(%dma_wait3A_172 : memref<4x128xi32, #tpu.memory_space<hbm>>) dst(%arg9 : memref<4x128xi32, #tpu.memory_space<vmem>>)
      tpu.yield
    }) : () -> ()
    %dma_start3A = arith.constant 0 : i32
    %dma_start3A_7 = arith.constant 0 : i32
    %dma_start3A_8 = arith.constant 0 : i32
    %dma_start3A_9 = tpu.memref_slice %arg10[%dma_start3A_7, %dma_start3A_8] : memref<512x128xf32, #tpu.memory_space<vmem>> -> memref<128x128xf32, #tpu.memory_space<vmem>>
    %dma_start3A_10 = arith.constant 0 : i32
    %dma_start3A_11 = tpu.memref_slice %arg8[%dma_start3A, %dma_start3A_10] : memref<4x128xi32, #tpu.memory_space<vmem>> -> memref<1x128xi32, #tpu.memory_space<vmem>>
    %dma_start3A_12 = tpu.memref_squeeze %dma_start3A_11 : memref<1x128xi32, #tpu.memory_space<vmem>> -> memref<128xi32, #tpu.memory_space<vmem>>
    %dma_start3A_13 = arith.constant 0 : i32
    %dma_start3A_14 = arith.constant 0 : i32
    %dma_start3A_15 = tpu.memref_slice %arg2[%dma_start3A_13, %dma_start3A_14] : memref<125000x128xf32, #tpu.memory_space<hbm>> -> memref<125000x128xf32, #tpu.memory_space<hbm>>
    tpu.enqueue_indirect_dma source(%dma_start3A_15 : memref<125000x128xf32, #tpu.memory_space<hbm>>) target(%dma_start3A_9 : memref<128x128xf32, #tpu.memory_space<vmem>>) offsets(%dma_start3A_12 : memref<128xi32, #tpu.memory_space<vmem>>) semaphore(%arg11 : memref<!tpu.dma_semaphore, #tpu.memory_space<semaphore_mem>>)
    %dma_start3A_16 = arith.constant 1 : i32
    %dma_start3A_17 = arith.constant 128 : i32
    %dma_start3A_18 = arith.constant 0 : i32
    %dma_start3A_19 = tpu.memref_slice %arg10[%dma_start3A_17, %dma_start3A_18] : memref<512x128xf32, #tpu.memory_space<vmem>> -> memref<128x128xf32, #tpu.memory_space<vmem>>
    %dma_start3A_20 = arith.constant 0 : i32
    %dma_start3A_21 = tpu.memref_slice %arg8[%dma_start3A_16, %dma_start3A_20] : memref<4x128xi32, #tpu.memory_space<vmem>> -> memref<1x128xi32, #tpu.memory_space<vmem>>
    %dma_start3A_22 = tpu.memref_squeeze %dma_start3A_21 : memref<1x128xi32, #tpu.memory_space<vmem>> -> memref<128xi32, #tpu.memory_space<vmem>>
    %dma_start3A_23 = arith.constant 0 : i32
    %dma_start3A_24 = arith.constant 0 : i32
    %dma_start3A_25 = tpu.memref_slice %arg2[%dma_start3A_23, %dma_start3A_24] : memref<125000x128xf32, #tpu.memory_space<hbm>> -> memref<125000x128xf32, #tpu.memory_space<hbm>>
    tpu.enqueue_indirect_dma source(%dma_start3A_25 : memref<125000x128xf32, #tpu.memory_space<hbm>>) target(%dma_start3A_19 : memref<128x128xf32, #tpu.memory_space<vmem>>) offsets(%dma_start3A_22 : memref<128xi32, #tpu.memory_space<vmem>>) semaphore(%arg11 : memref<!tpu.dma_semaphore, #tpu.memory_space<semaphore_mem>>)
    %dma_start3A_26 = arith.constant 2 : i32
    %dma_start3A_27 = arith.constant 256 : i32
    %dma_start3A_28 = arith.constant 0 : i32
    %dma_start3A_29 = tpu.memref_slice %arg10[%dma_start3A_27, %dma_start3A_28] : memref<512x128xf32, #tpu.memory_space<vmem>> -> memref<128x128xf32, #tpu.memory_space<vmem>>
    %dma_start3A_30 = arith.constant 0 : i32
    %dma_start3A_31 = tpu.memref_slice %arg8[%dma_start3A_26, %dma_start3A_30] : memref<4x128xi32, #tpu.memory_space<vmem>> -> memref<1x128xi32, #tpu.memory_space<vmem>>
    %dma_start3A_32 = tpu.memref_squeeze %dma_start3A_31 : memref<1x128xi32, #tpu.memory_space<vmem>> -> memref<128xi32, #tpu.memory_space<vmem>>
    %dma_start3A_33 = arith.constant 0 : i32
    %dma_start3A_34 = arith.constant 0 : i32
    %dma_start3A_35 = tpu.memref_slice %arg2[%dma_start3A_33, %dma_start3A_34] : memref<125000x128xf32, #tpu.memory_space<hbm>> -> memref<125000x128xf32, #tpu.memory_space<hbm>>
    tpu.enqueue_indirect_dma source(%dma_start3A_35 : memref<125000x128xf32, #tpu.memory_space<hbm>>) target(%dma_start3A_29 : memref<128x128xf32, #tpu.memory_space<vmem>>) offsets(%dma_start3A_32 : memref<128xi32, #tpu.memory_space<vmem>>) semaphore(%arg11 : memref<!tpu.dma_semaphore, #tpu.memory_space<semaphore_mem>>)
    %dma_start3A_36 = arith.constant 3 : i32
    %dma_start3A_37 = arith.constant 384 : i32
    %dma_start3A_38 = arith.constant 0 : i32
    %dma_start3A_39 = tpu.memref_slice %arg10[%dma_start3A_37, %dma_start3A_38] : memref<512x128xf32, #tpu.memory_space<vmem>> -> memref<128x128xf32, #tpu.memory_space<vmem>>
    %dma_start3A_40 = arith.constant 0 : i32
    %dma_start3A_41 = tpu.memref_slice %arg8[%dma_start3A_36, %dma_start3A_40] : memref<4x128xi32, #tpu.memory_space<vmem>> -> memref<1x128xi32, #tpu.memory_space<vmem>>
    %dma_start3A_42 = tpu.memref_squeeze %dma_start3A_41 : memref<1x128xi32, #tpu.memory_space<vmem>> -> memref<128xi32, #tpu.memory_space<vmem>>
    %dma_start3A_43 = arith.constant 0 : i32
    %dma_start3A_44 = arith.constant 0 : i32
    %dma_start3A_45 = tpu.memref_slice %arg2[%dma_start3A_43, %dma_start3A_44] : memref<125000x128xf32, #tpu.memory_space<hbm>> -> memref<125000x128xf32, #tpu.memory_space<hbm>>
    tpu.enqueue_indirect_dma source(%dma_start3A_45 : memref<125000x128xf32, #tpu.memory_space<hbm>>) target(%dma_start3A_39 : memref<128x128xf32, #tpu.memory_space<vmem>>) offsets(%dma_start3A_42 : memref<128xi32, #tpu.memory_space<vmem>>) semaphore(%arg11 : memref<!tpu.dma_semaphore, #tpu.memory_space<semaphore_mem>>)
    %dma_wait3A = arith.constant 0 : i32
    %dma_wait3A_46 = arith.constant 0 : i32
    %dma_wait3A_47 = arith.constant 0 : i32
    %dma_wait3A_48 = tpu.memref_slice %arg10[%dma_wait3A_46, %dma_wait3A_47] : memref<512x128xf32, #tpu.memory_space<vmem>> -> memref<128x128xf32, #tpu.memory_space<vmem>>
    %dma_wait3A_49 = arith.constant 0 : i32
    %dma_wait3A_50 = tpu.memref_slice %arg8[%dma_wait3A, %dma_wait3A_49] : memref<4x128xi32, #tpu.memory_space<vmem>> -> memref<1x128xi32, #tpu.memory_space<vmem>>
    %dma_wait3A_51 = tpu.memref_squeeze %dma_wait3A_50 : memref<1x128xi32, #tpu.memory_space<vmem>> -> memref<128xi32, #tpu.memory_space<vmem>>
    %dma_wait3A_52 = arith.constant 0 : i32
    %dma_wait3A_53 = arith.constant 0 : i32
    %dma_wait3A_54 = tpu.memref_slice %arg2[%dma_wait3A_52, %dma_wait3A_53] : memref<125000x128xf32, #tpu.memory_space<hbm>> -> memref<125000x128xf32, #tpu.memory_space<hbm>>
    tpu.wait_indirect_dma semaphore(%arg11 : memref<!tpu.dma_semaphore, #tpu.memory_space<semaphore_mem>>) src(%dma_wait3A_54 : memref<125000x128xf32, #tpu.memory_space<hbm>>) dst(%dma_wait3A_48 : memref<128x128xf32, #tpu.memory_space<vmem>>)
    %dma_wait3A_55 = arith.constant 1 : i32
    %dma_wait3A_56 = arith.constant 128 : i32
    %dma_wait3A_57 = arith.constant 0 : i32
    %dma_wait3A_58 = tpu.memref_slice %arg10[%dma_wait3A_56, %dma_wait3A_57] : memref<512x128xf32, #tpu.memory_space<vmem>> -> memref<128x128xf32, #tpu.memory_space<vmem>>
    %dma_wait3A_59 = arith.constant 0 : i32
    %dma_wait3A_60 = tpu.memref_slice %arg8[%dma_wait3A_55, %dma_wait3A_59] : memref<4x128xi32, #tpu.memory_space<vmem>> -> memref<1x128xi32, #tpu.memory_space<vmem>>
    %dma_wait3A_61 = tpu.memref_squeeze %dma_wait3A_60 : memref<1x128xi32, #tpu.memory_space<vmem>> -> memref<128xi32, #tpu.memory_space<vmem>>
    %dma_wait3A_62 = arith.constant 0 : i32
    %dma_wait3A_63 = arith.constant 0 : i32
    %dma_wait3A_64 = tpu.memref_slice %arg2[%dma_wait3A_62, %dma_wait3A_63] : memref<125000x128xf32, #tpu.memory_space<hbm>> -> memref<125000x128xf32, #tpu.memory_space<hbm>>
    tpu.wait_indirect_dma semaphore(%arg11 : memref<!tpu.dma_semaphore, #tpu.memory_space<semaphore_mem>>) src(%dma_wait3A_64 : memref<125000x128xf32, #tpu.memory_space<hbm>>) dst(%dma_wait3A_58 : memref<128x128xf32, #tpu.memory_space<vmem>>)
    %dma_wait3A_65 = arith.constant 2 : i32
    %dma_wait3A_66 = arith.constant 256 : i32
    %dma_wait3A_67 = arith.constant 0 : i32
    %dma_wait3A_68 = tpu.memref_slice %arg10[%dma_wait3A_66, %dma_wait3A_67] : memref<512x128xf32, #tpu.memory_space<vmem>> -> memref<128x128xf32, #tpu.memory_space<vmem>>
    %dma_wait3A_69 = arith.constant 0 : i32
    %dma_wait3A_70 = tpu.memref_slice %arg8[%dma_wait3A_65, %dma_wait3A_69] : memref<4x128xi32, #tpu.memory_space<vmem>> -> memref<1x128xi32, #tpu.memory_space<vmem>>
    %dma_wait3A_71 = tpu.memref_squeeze %dma_wait3A_70 : memref<1x128xi32, #tpu.memory_space<vmem>> -> memref<128xi32, #tpu.memory_space<vmem>>
    %dma_wait3A_72 = arith.constant 0 : i32
    %dma_wait3A_73 = arith.constant 0 : i32
    %dma_wait3A_74 = tpu.memref_slice %arg2[%dma_wait3A_72, %dma_wait3A_73] : memref<125000x128xf32, #tpu.memory_space<hbm>> -> memref<125000x128xf32, #tpu.memory_space<hbm>>
    tpu.wait_indirect_dma semaphore(%arg11 : memref<!tpu.dma_semaphore, #tpu.memory_space<semaphore_mem>>) src(%dma_wait3A_74 : memref<125000x128xf32, #tpu.memory_space<hbm>>) dst(%dma_wait3A_68 : memref<128x128xf32, #tpu.memory_space<vmem>>)
    %dma_wait3A_75 = arith.constant 3 : i32
    %dma_wait3A_76 = arith.constant 384 : i32
    %dma_wait3A_77 = arith.constant 0 : i32
    %dma_wait3A_78 = tpu.memref_slice %arg10[%dma_wait3A_76, %dma_wait3A_77] : memref<512x128xf32, #tpu.memory_space<vmem>> -> memref<128x128xf32, #tpu.memory_space<vmem>>
    %dma_wait3A_79 = arith.constant 0 : i32
    %dma_wait3A_80 = tpu.memref_slice %arg8[%dma_wait3A_75, %dma_wait3A_79] : memref<4x128xi32, #tpu.memory_space<vmem>> -> memref<1x128xi32, #tpu.memory_space<vmem>>
    %dma_wait3A_81 = tpu.memref_squeeze %dma_wait3A_80 : memref<1x128xi32, #tpu.memory_space<vmem>> -> memref<128xi32, #tpu.memory_space<vmem>>
    %dma_wait3A_82 = arith.constant 0 : i32
    %dma_wait3A_83 = arith.constant 0 : i32
    %dma_wait3A_84 = tpu.memref_slice %arg2[%dma_wait3A_82, %dma_wait3A_83] : memref<125000x128xf32, #tpu.memory_space<hbm>> -> memref<125000x128xf32, #tpu.memory_space<hbm>>
    tpu.wait_indirect_dma semaphore(%arg11 : memref<!tpu.dma_semaphore, #tpu.memory_space<semaphore_mem>>) src(%dma_wait3A_84 : memref<125000x128xf32, #tpu.memory_space<hbm>>) dst(%dma_wait3A_78 : memref<128x128xf32, #tpu.memory_space<vmem>>)
    "tpu.region"() ({
      %run_scoped3A = tpu.sem_alloc : memref<!tpu.dma_semaphore, #tpu.memory_space<semaphore_mem>>
      %dma_start3A_165 = arith.constant 0 : i32
      %dma_start3A_166 = tpu.memref_slice %arg6[%mul3A_2, %dma_start3A_165] : memref<16384x128xf32, #tpu.memory_space<hbm>> -> memref<512x128xf32, #tpu.memory_space<hbm>>
      %dma_start3A_167 = arith.constant 0 : i32
      %dma_start3A_168 = tpu.memref_slice %arg6[%mul3A_2, %dma_start3A_167] : memref<16384x128xf32, #tpu.memory_space<hbm>> -> memref<512x128xf32, #tpu.memory_space<hbm>>
      tpu.enqueue_dma source(%arg10 : memref<512x128xf32, #tpu.memory_space<vmem>>) target(%dma_start3A_168 : memref<512x128xf32, #tpu.memory_space<hbm>>) target_semaphore(%run_scoped3A : memref<!tpu.dma_semaphore, #tpu.memory_space<semaphore_mem>>)
      %dma_wait3A_169 = arith.constant 0 : i32
      %dma_wait3A_170 = tpu.memref_slice %arg6[%mul3A_2, %dma_wait3A_169] : memref<16384x128xf32, #tpu.memory_space<hbm>> -> memref<512x128xf32, #tpu.memory_space<hbm>>
      %dma_wait3A_171 = arith.constant 0 : i32
      %dma_wait3A_172 = tpu.memref_slice %arg6[%mul3A_2, %dma_wait3A_171] : memref<16384x128xf32, #tpu.memory_space<hbm>> -> memref<512x128xf32, #tpu.memory_space<hbm>>
      tpu.wait_dma2 semaphore(%run_scoped3A : memref<!tpu.dma_semaphore, #tpu.memory_space<semaphore_mem>>) src(%arg10 : memref<512x128xf32, #tpu.memory_space<vmem>>) dst(%dma_wait3A_172 : memref<512x128xf32, #tpu.memory_space<hbm>>)
      tpu.yield
    }) : () -> ()
    %dma_start3A_85 = arith.constant 0 : i32
    %dma_start3A_86 = arith.constant 0 : i32
    %dma_start3A_87 = arith.constant 0 : i32
    %dma_start3A_88 = tpu.memref_slice %arg10[%dma_start3A_86, %dma_start3A_87] : memref<512x128xf32, #tpu.memory_space<vmem>> -> memref<128x128xf32, #tpu.memory_space<vmem>>
    %dma_start3A_89 = arith.constant 0 : i32
    %dma_start3A_90 = tpu.memref_slice %arg9[%dma_start3A_85, %dma_start3A_89] : memref<4x128xi32, #tpu.memory_space<vmem>> -> memref<1x128xi32, #tpu.memory_space<vmem>>
    %dma_start3A_91 = tpu.memref_squeeze %dma_start3A_90 : memref<1x128xi32, #tpu.memory_space<vmem>> -> memref<128xi32, #tpu.memory_space<vmem>>
    %dma_start3A_92 = arith.constant 0 : i32
    %dma_start3A_93 = arith.constant 0 : i32
    %dma_start3A_94 = tpu.memref_slice %arg3[%dma_start3A_92, %dma_start3A_93] : memref<125000x128xf32, #tpu.memory_space<hbm>> -> memref<125000x128xf32, #tpu.memory_space<hbm>>
    tpu.enqueue_indirect_dma source(%dma_start3A_94 : memref<125000x128xf32, #tpu.memory_space<hbm>>) target(%dma_start3A_88 : memref<128x128xf32, #tpu.memory_space<vmem>>) offsets(%dma_start3A_91 : memref<128xi32, #tpu.memory_space<vmem>>) semaphore(%arg11 : memref<!tpu.dma_semaphore, #tpu.memory_space<semaphore_mem>>)
    %dma_start3A_95 = arith.constant 1 : i32
    %dma_start3A_96 = arith.constant 128 : i32
    %dma_start3A_97 = arith.constant 0 : i32
    %dma_start3A_98 = tpu.memref_slice %arg10[%dma_start3A_96, %dma_start3A_97] : memref<512x128xf32, #tpu.memory_space<vmem>> -> memref<128x128xf32, #tpu.memory_space<vmem>>
    %dma_start3A_99 = arith.constant 0 : i32
    %dma_start3A_100 = tpu.memref_slice %arg9[%dma_start3A_95, %dma_start3A_99] : memref<4x128xi32, #tpu.memory_space<vmem>> -> memref<1x128xi32, #tpu.memory_space<vmem>>
    %dma_start3A_101 = tpu.memref_squeeze %dma_start3A_100 : memref<1x128xi32, #tpu.memory_space<vmem>> -> memref<128xi32, #tpu.memory_space<vmem>>
    %dma_start3A_102 = arith.constant 0 : i32
    %dma_start3A_103 = arith.constant 0 : i32
    %dma_start3A_104 = tpu.memref_slice %arg3[%dma_start3A_102, %dma_start3A_103] : memref<125000x128xf32, #tpu.memory_space<hbm>> -> memref<125000x128xf32, #tpu.memory_space<hbm>>
    tpu.enqueue_indirect_dma source(%dma_start3A_104 : memref<125000x128xf32, #tpu.memory_space<hbm>>) target(%dma_start3A_98 : memref<128x128xf32, #tpu.memory_space<vmem>>) offsets(%dma_start3A_101 : memref<128xi32, #tpu.memory_space<vmem>>) semaphore(%arg11 : memref<!tpu.dma_semaphore, #tpu.memory_space<semaphore_mem>>)
    %dma_start3A_105 = arith.constant 2 : i32
    %dma_start3A_106 = arith.constant 256 : i32
    %dma_start3A_107 = arith.constant 0 : i32
    %dma_start3A_108 = tpu.memref_slice %arg10[%dma_start3A_106, %dma_start3A_107] : memref<512x128xf32, #tpu.memory_space<vmem>> -> memref<128x128xf32, #tpu.memory_space<vmem>>
    %dma_start3A_109 = arith.constant 0 : i32
    %dma_start3A_110 = tpu.memref_slice %arg9[%dma_start3A_105, %dma_start3A_109] : memref<4x128xi32, #tpu.memory_space<vmem>> -> memref<1x128xi32, #tpu.memory_space<vmem>>
    %dma_start3A_111 = tpu.memref_squeeze %dma_start3A_110 : memref<1x128xi32, #tpu.memory_space<vmem>> -> memref<128xi32, #tpu.memory_space<vmem>>
    %dma_start3A_112 = arith.constant 0 : i32
    %dma_start3A_113 = arith.constant 0 : i32
    %dma_start3A_114 = tpu.memref_slice %arg3[%dma_start3A_112, %dma_start3A_113] : memref<125000x128xf32, #tpu.memory_space<hbm>> -> memref<125000x128xf32, #tpu.memory_space<hbm>>
    tpu.enqueue_indirect_dma source(%dma_start3A_114 : memref<125000x128xf32, #tpu.memory_space<hbm>>) target(%dma_start3A_108 : memref<128x128xf32, #tpu.memory_space<vmem>>) offsets(%dma_start3A_111 : memref<128xi32, #tpu.memory_space<vmem>>) semaphore(%arg11 : memref<!tpu.dma_semaphore, #tpu.memory_space<semaphore_mem>>)
    %dma_start3A_115 = arith.constant 3 : i32
    %dma_start3A_116 = arith.constant 384 : i32
    %dma_start3A_117 = arith.constant 0 : i32
    %dma_start3A_118 = tpu.memref_slice %arg10[%dma_start3A_116, %dma_start3A_117] : memref<512x128xf32, #tpu.memory_space<vmem>> -> memref<128x128xf32, #tpu.memory_space<vmem>>
    %dma_start3A_119 = arith.constant 0 : i32
    %dma_start3A_120 = tpu.memref_slice %arg9[%dma_start3A_115, %dma_start3A_119] : memref<4x128xi32, #tpu.memory_space<vmem>> -> memref<1x128xi32, #tpu.memory_space<vmem>>
    %dma_start3A_121 = tpu.memref_squeeze %dma_start3A_120 : memref<1x128xi32, #tpu.memory_space<vmem>> -> memref<128xi32, #tpu.memory_space<vmem>>
    %dma_start3A_122 = arith.constant 0 : i32
    %dma_start3A_123 = arith.constant 0 : i32
    %dma_start3A_124 = tpu.memref_slice %arg3[%dma_start3A_122, %dma_start3A_123] : memref<125000x128xf32, #tpu.memory_space<hbm>> -> memref<125000x128xf32, #tpu.memory_space<hbm>>
    tpu.enqueue_indirect_dma source(%dma_start3A_124 : memref<125000x128xf32, #tpu.memory_space<hbm>>) target(%dma_start3A_118 : memref<128x128xf32, #tpu.memory_space<vmem>>) offsets(%dma_start3A_121 : memref<128xi32, #tpu.memory_space<vmem>>) semaphore(%arg11 : memref<!tpu.dma_semaphore, #tpu.memory_space<semaphore_mem>>)
    %dma_wait3A_125 = arith.constant 0 : i32
    %dma_wait3A_126 = arith.constant 0 : i32
    %dma_wait3A_127 = arith.constant 0 : i32
    %dma_wait3A_128 = tpu.memref_slice %arg10[%dma_wait3A_126, %dma_wait3A_127] : memref<512x128xf32, #tpu.memory_space<vmem>> -> memref<128x128xf32, #tpu.memory_space<vmem>>
    %dma_wait3A_129 = arith.constant 0 : i32
    %dma_wait3A_130 = tpu.memref_slice %arg9[%dma_wait3A_125, %dma_wait3A_129] : memref<4x128xi32, #tpu.memory_space<vmem>> -> memref<1x128xi32, #tpu.memory_space<vmem>>
    %dma_wait3A_131 = tpu.memref_squeeze %dma_wait3A_130 : memref<1x128xi32, #tpu.memory_space<vmem>> -> memref<128xi32, #tpu.memory_space<vmem>>
    %dma_wait3A_132 = arith.constant 0 : i32
    %dma_wait3A_133 = arith.constant 0 : i32
    %dma_wait3A_134 = tpu.memref_slice %arg3[%dma_wait3A_132, %dma_wait3A_133] : memref<125000x128xf32, #tpu.memory_space<hbm>> -> memref<125000x128xf32, #tpu.memory_space<hbm>>
    tpu.wait_indirect_dma semaphore(%arg11 : memref<!tpu.dma_semaphore, #tpu.memory_space<semaphore_mem>>) src(%dma_wait3A_134 : memref<125000x128xf32, #tpu.memory_space<hbm>>) dst(%dma_wait3A_128 : memref<128x128xf32, #tpu.memory_space<vmem>>)
    %dma_wait3A_135 = arith.constant 1 : i32
    %dma_wait3A_136 = arith.constant 128 : i32
    %dma_wait3A_137 = arith.constant 0 : i32
    %dma_wait3A_138 = tpu.memref_slice %arg10[%dma_wait3A_136, %dma_wait3A_137] : memref<512x128xf32, #tpu.memory_space<vmem>> -> memref<128x128xf32, #tpu.memory_space<vmem>>
    %dma_wait3A_139 = arith.constant 0 : i32
    %dma_wait3A_140 = tpu.memref_slice %arg9[%dma_wait3A_135, %dma_wait3A_139] : memref<4x128xi32, #tpu.memory_space<vmem>> -> memref<1x128xi32, #tpu.memory_space<vmem>>
    %dma_wait3A_141 = tpu.memref_squeeze %dma_wait3A_140 : memref<1x128xi32, #tpu.memory_space<vmem>> -> memref<128xi32, #tpu.memory_space<vmem>>
    %dma_wait3A_142 = arith.constant 0 : i32
    %dma_wait3A_143 = arith.constant 0 : i32
    %dma_wait3A_144 = tpu.memref_slice %arg3[%dma_wait3A_142, %dma_wait3A_143] : memref<125000x128xf32, #tpu.memory_space<hbm>> -> memref<125000x128xf32, #tpu.memory_space<hbm>>
    tpu.wait_indirect_dma semaphore(%arg11 : memref<!tpu.dma_semaphore, #tpu.memory_space<semaphore_mem>>) src(%dma_wait3A_144 : memref<125000x128xf32, #tpu.memory_space<hbm>>) dst(%dma_wait3A_138 : memref<128x128xf32, #tpu.memory_space<vmem>>)
    %dma_wait3A_145 = arith.constant 2 : i32
    %dma_wait3A_146 = arith.constant 256 : i32
    %dma_wait3A_147 = arith.constant 0 : i32
    %dma_wait3A_148 = tpu.memref_slice %arg10[%dma_wait3A_146, %dma_wait3A_147] : memref<512x128xf32, #tpu.memory_space<vmem>> -> memref<128x128xf32, #tpu.memory_space<vmem>>
    %dma_wait3A_149 = arith.constant 0 : i32
    %dma_wait3A_150 = tpu.memref_slice %arg9[%dma_wait3A_145, %dma_wait3A_149] : memref<4x128xi32, #tpu.memory_space<vmem>> -> memref<1x128xi32, #tpu.memory_space<vmem>>
    %dma_wait3A_151 = tpu.memref_squeeze %dma_wait3A_150 : memref<1x128xi32, #tpu.memory_space<vmem>> -> memref<128xi32, #tpu.memory_space<vmem>>
    %dma_wait3A_152 = arith.constant 0 : i32
    %dma_wait3A_153 = arith.constant 0 : i32
    %dma_wait3A_154 = tpu.memref_slice %arg3[%dma_wait3A_152, %dma_wait3A_153] : memref<125000x128xf32, #tpu.memory_space<hbm>> -> memref<125000x128xf32, #tpu.memory_space<hbm>>
    tpu.wait_indirect_dma semaphore(%arg11 : memref<!tpu.dma_semaphore, #tpu.memory_space<semaphore_mem>>) src(%dma_wait3A_154 : memref<125000x128xf32, #tpu.memory_space<hbm>>) dst(%dma_wait3A_148 : memref<128x128xf32, #tpu.memory_space<vmem>>)
    %dma_wait3A_155 = arith.constant 3 : i32
    %dma_wait3A_156 = arith.constant 384 : i32
    %dma_wait3A_157 = arith.constant 0 : i32
    %dma_wait3A_158 = tpu.memref_slice %arg10[%dma_wait3A_156, %dma_wait3A_157] : memref<512x128xf32, #tpu.memory_space<vmem>> -> memref<128x128xf32, #tpu.memory_space<vmem>>
    %dma_wait3A_159 = arith.constant 0 : i32
    %dma_wait3A_160 = tpu.memref_slice %arg9[%dma_wait3A_155, %dma_wait3A_159] : memref<4x128xi32, #tpu.memory_space<vmem>> -> memref<1x128xi32, #tpu.memory_space<vmem>>
    %dma_wait3A_161 = tpu.memref_squeeze %dma_wait3A_160 : memref<1x128xi32, #tpu.memory_space<vmem>> -> memref<128xi32, #tpu.memory_space<vmem>>
    %dma_wait3A_162 = arith.constant 0 : i32
    %dma_wait3A_163 = arith.constant 0 : i32
    %dma_wait3A_164 = tpu.memref_slice %arg3[%dma_wait3A_162, %dma_wait3A_163] : memref<125000x128xf32, #tpu.memory_space<hbm>> -> memref<125000x128xf32, #tpu.memory_space<hbm>>
    tpu.wait_indirect_dma semaphore(%arg11 : memref<!tpu.dma_semaphore, #tpu.memory_space<semaphore_mem>>) src(%dma_wait3A_164 : memref<125000x128xf32, #tpu.memory_space<hbm>>) dst(%dma_wait3A_158 : memref<128x128xf32, #tpu.memory_space<vmem>>)
    "tpu.region"() ({
      %run_scoped3A = tpu.sem_alloc : memref<!tpu.dma_semaphore, #tpu.memory_space<semaphore_mem>>
      %dma_start3A_165 = arith.constant 0 : i32
      %dma_start3A_166 = tpu.memref_slice %arg7[%mul3A_2, %dma_start3A_165] : memref<16384x128xf32, #tpu.memory_space<hbm>> -> memref<512x128xf32, #tpu.memory_space<hbm>>
      %dma_start3A_167 = arith.constant 0 : i32
      %dma_start3A_168 = tpu.memref_slice %arg7[%mul3A_2, %dma_start3A_167] : memref<16384x128xf32, #tpu.memory_space<hbm>> -> memref<512x128xf32, #tpu.memory_space<hbm>>
      tpu.enqueue_dma source(%arg10 : memref<512x128xf32, #tpu.memory_space<vmem>>) target(%dma_start3A_168 : memref<512x128xf32, #tpu.memory_space<hbm>>) target_semaphore(%run_scoped3A : memref<!tpu.dma_semaphore, #tpu.memory_space<semaphore_mem>>)
      %dma_wait3A_169 = arith.constant 0 : i32
      %dma_wait3A_170 = tpu.memref_slice %arg7[%mul3A_2, %dma_wait3A_169] : memref<16384x128xf32, #tpu.memory_space<hbm>> -> memref<512x128xf32, #tpu.memory_space<hbm>>
      %dma_wait3A_171 = arith.constant 0 : i32
      %dma_wait3A_172 = tpu.memref_slice %arg7[%mul3A_2, %dma_wait3A_171] : memref<16384x128xf32, #tpu.memory_space<hbm>> -> memref<512x128xf32, #tpu.memory_space<hbm>>
      tpu.wait_dma2 semaphore(%run_scoped3A : memref<!tpu.dma_semaphore, #tpu.memory_space<semaphore_mem>>) src(%arg10 : memref<512x128xf32, #tpu.memory_space<vmem>>) dst(%dma_wait3A_172 : memref<512x128xf32, #tpu.memory_space<hbm>>)
      tpu.yield
    }) : () -> ()
    return
  }
}

module attributes {stable_mosaic.version = 14 : i64} {
  func.func @_transpose_pack_body(%arg0: i32, %arg1: memref<16x8192xf32, #tpu.memory_space<vmem>>, %arg2: memref<1024x128xf32, #tpu.memory_space<vmem>>) attributes {dimension_semantics = [#tpu.dimension_semantics<arbitrary>], iteration_bounds = array<i64: 123>, scalar_prefetch = 0 : i64, scratch_operands = 0 : i64, tpu.core_type = #tpu.core_type<tc>, window_params = [{transform_indices = @transform_0, window_bounds = array<i64: 16, 8192>}, {transform_indices = @transform_1, window_bounds = array<i64: 1024, 128>}]} {
    %get3A = arith.constant 0 : index
    %get3A_0 = arith.constant 0 : index
    %get3A_1 = vector.load %arg1[%get3A, %get3A_0] : memref<16x8192xf32, #tpu.memory_space<vmem>>, vector<16x8192xf32>
    %transpose3A = tpu.transpose %get3A_1, [1, 0] : vector<16x8192xf32> -> vector<8192x16xf32>
    %reshape3A = vector.shape_cast %transpose3A : vector<8192x16xf32> to vector<1024x8x16xf32>
    %slice3A = vector.extract_strided_slice %reshape3A {offsets = [0, 0, 0], sizes = [1024, 1, 16], strides = [1, 1, 1]} : vector<1024x8x16xf32> to vector<1024x1x16xf32>
    %squeeze3A = vector.shape_cast %slice3A : vector<1024x1x16xf32> to vector<1024x16xf32>
    %slice3A_2 = vector.extract_strided_slice %reshape3A {offsets = [0, 1, 0], sizes = [1024, 1, 16], strides = [1, 1, 1]} : vector<1024x8x16xf32> to vector<1024x1x16xf32>
    %squeeze3A_3 = vector.shape_cast %slice3A_2 : vector<1024x1x16xf32> to vector<1024x16xf32>
    %slice3A_4 = vector.extract_strided_slice %reshape3A {offsets = [0, 2, 0], sizes = [1024, 1, 16], strides = [1, 1, 1]} : vector<1024x8x16xf32> to vector<1024x1x16xf32>
    %squeeze3A_5 = vector.shape_cast %slice3A_4 : vector<1024x1x16xf32> to vector<1024x16xf32>
    %slice3A_6 = vector.extract_strided_slice %reshape3A {offsets = [0, 3, 0], sizes = [1024, 1, 16], strides = [1, 1, 1]} : vector<1024x8x16xf32> to vector<1024x1x16xf32>
    %squeeze3A_7 = vector.shape_cast %slice3A_6 : vector<1024x1x16xf32> to vector<1024x16xf32>
    %slice3A_8 = vector.extract_strided_slice %reshape3A {offsets = [0, 4, 0], sizes = [1024, 1, 16], strides = [1, 1, 1]} : vector<1024x8x16xf32> to vector<1024x1x16xf32>
    %squeeze3A_9 = vector.shape_cast %slice3A_8 : vector<1024x1x16xf32> to vector<1024x16xf32>
    %slice3A_10 = vector.extract_strided_slice %reshape3A {offsets = [0, 5, 0], sizes = [1024, 1, 16], strides = [1, 1, 1]} : vector<1024x8x16xf32> to vector<1024x1x16xf32>
    %squeeze3A_11 = vector.shape_cast %slice3A_10 : vector<1024x1x16xf32> to vector<1024x16xf32>
    %slice3A_12 = vector.extract_strided_slice %reshape3A {offsets = [0, 6, 0], sizes = [1024, 1, 16], strides = [1, 1, 1]} : vector<1024x8x16xf32> to vector<1024x1x16xf32>
    %squeeze3A_13 = vector.shape_cast %slice3A_12 : vector<1024x1x16xf32> to vector<1024x16xf32>
    %slice3A_14 = vector.extract_strided_slice %reshape3A {offsets = [0, 7, 0], sizes = [1024, 1, 16], strides = [1, 1, 1]} : vector<1024x8x16xf32> to vector<1024x1x16xf32>
    %squeeze3A_15 = vector.shape_cast %slice3A_14 : vector<1024x1x16xf32> to vector<1024x16xf32>
    %concatenate3A = tpu.concatenate %squeeze3A, %squeeze3A_3, %squeeze3A_5, %squeeze3A_7, %squeeze3A_9, %squeeze3A_11, %squeeze3A_13, %squeeze3A_15 in 1 : vector<1024x16xf32>, vector<1024x16xf32>, vector<1024x16xf32>, vector<1024x16xf32>, vector<1024x16xf32>, vector<1024x16xf32>, vector<1024x16xf32>, vector<1024x16xf32> -> vector<1024x128xf32>
    %swap3A = arith.constant 0 : index
    %swap3A_16 = arith.constant 0 : index
    %swap3A_17 = vector.load %arg2[%swap3A, %swap3A_16] : memref<1024x128xf32, #tpu.memory_space<vmem>>, vector<1024x128xf32>
    tpu.vector_store %arg2[%swap3A, %swap3A_16], %concatenate3A {strides = array<i32>} : memref<1024x128xf32, #tpu.memory_space<vmem>>, vector<1024x128xf32>,
    return
  }
  func.func @transform_0(%arg0: i32) -> (i32, i32) {
    %c0_i32 = arith.constant 0 : i32
    %c0_i32_0 = arith.constant 0 : i32
    return %c0_i32, %arg0 : i32, i32
  }
  func.func @transform_1(%arg0: i32) -> (i32, i32) {
    %c0_i32 = arith.constant 0 : i32
    %c0_i32_0 = arith.constant 0 : i32
    return %arg0, %c0_i32 : i32, i32
  }
}

module attributes {stable_mosaic.version = 14 : i64} {
  func.func @_mlp_body(%arg0: i32, %arg1: memref<2048x1xi32, #tpu.memory_space<vmem>>, %arg2: memref<2048x1xi32, #tpu.memory_space<vmem>>, %arg3: memref<2048x128xf32, #tpu.memory_space<vmem>>, %arg4: memref<2048x128xf32, #tpu.memory_space<vmem>>, %arg5: memref<128x128xf32, #tpu.memory_space<vmem>>, %arg6: memref<128x128xf32, #tpu.memory_space<vmem>>, %arg7: memref<1x128xf32, #tpu.memory_space<vmem>>, %arg8: memref<1x128xf32, #tpu.memory_space<vmem>>, %arg9: memref<1x1xf32, #tpu.memory_space<vmem>>, %arg10: memref<2048xf32, #tpu.memory_space<vmem>>) attributes {dimension_semantics = [#tpu.dimension_semantics<arbitrary>], iteration_bounds = array<i64: 8>, scalar_prefetch = 0 : i64, scratch_operands = 0 : i64, tpu.core_type = #tpu.core_type<tc>, window_params = [{transform_indices = @transform_0, window_bounds = array<i64: 2048, 1>}, {transform_indices = @transform_1, window_bounds = array<i64: 2048, 1>}, {transform_indices = @transform_2, window_bounds = array<i64: 2048, 128>}, {transform_indices = @transform_3, window_bounds = array<i64: 2048, 128>}, {pipeline_mode = #tpu.pipeline_mode<synchronous>, transform_indices = @transform_4, window_bounds = array<i64: 128, 128>}, {pipeline_mode = #tpu.pipeline_mode<synchronous>, transform_indices = @transform_5, window_bounds = array<i64: 128, 128>}, {pipeline_mode = #tpu.pipeline_mode<synchronous>, transform_indices = @transform_6, window_bounds = array<i64: 1, 128>}, {pipeline_mode = #tpu.pipeline_mode<synchronous>, transform_indices = @transform_7, window_bounds = array<i64: 1, 128>}, {pipeline_mode = #tpu.pipeline_mode<synchronous>, transform_indices = @transform_8, window_bounds = array<i64: 1, 1>}, {transform_indices = @transform_9, window_bounds = array<i64: 2048>}]} {
    %iota3A = tpu.iota {dimensions = array<i32: 1>} : vector<2048x128xi32>
    %jit3A = arith.constant 16 : i32
    %div3A = vector.broadcast %jit3A : i32 to vector<2048x128xi32>
    %div3A_0 = arith.divsi %iota3A, %div3A : vector<2048x128xi32>
    %sign3A = arith.constant 0 : i32
    %sign3A_1 = vector.broadcast %sign3A : i32 to vector<2048x128xi32>
    %sign3A_2 = arith.cmpi sgt, %iota3A, %sign3A_1 : vector<2048x128xi32>
    %sign3A_3 = arith.extui %sign3A_2 : vector<2048x128xi1> to vector<2048x128xi32>
    %sign3A_4 = arith.constant 0 : i32
    %sign3A_5 = vector.broadcast %sign3A_4 : i32 to vector<2048x128xi32>
    %sign3A_6 = arith.cmpi slt, %iota3A, %sign3A_5 : vector<2048x128xi32>
    %sign3A_7 = arith.extui %sign3A_6 : vector<2048x128xi1> to vector<2048x128xi32>
    %sign3A_8 = arith.subi %sign3A_3, %sign3A_7 : vector<2048x128xi32>
    %sign3A_9 = arith.constant 0 : i32
    %sign3A_10 = arith.cmpi sgt, %jit3A, %sign3A_9 : i32
    %sign3A_11 = arith.extui %sign3A_10 : i1 to i32
    %sign3A_12 = arith.constant 0 : i32
    %sign3A_13 = arith.cmpi slt, %jit3A, %sign3A_12 : i32
    %sign3A_14 = arith.extui %sign3A_13 : i1 to i32
    %sign3A_15 = arith.subi %sign3A_11, %sign3A_14 : i32
    %ne3A = vector.broadcast %sign3A_15 : i32 to vector<2048x128xi32>
    %ne3A_16 = arith.cmpi ne, %sign3A_8, %ne3A : vector<2048x128xi32>
    %rem3A = vector.broadcast %jit3A : i32 to vector<2048x128xi32>
    %rem3A_17 = arith.remsi %iota3A, %rem3A : vector<2048x128xi32>
    %ne3A_18 = arith.constant 0 : i32
    %ne3A_19 = vector.broadcast %ne3A_18 : i32 to vector<2048x128xi32>
    %ne3A_20 = arith.cmpi ne, %rem3A_17, %ne3A_19 : vector<2048x128xi32>
    %and3A = arith.andi %ne3A_16, %ne3A_20 : vector<2048x128xi1>
    %sub3A = arith.constant 1 : i32
    %sub3A_21 = vector.broadcast %sub3A : i32 to vector<2048x128xi32>
    %sub3A_22 = arith.subi %div3A_0, %sub3A_21 : vector<2048x128xi32>
    %select_n3A = arith.select %and3A, %sub3A_22, %div3A_0 : vector<2048x128xi1>, vector<2048x128xi32>
    %get3A = arith.constant 0 : index
    %get3A_23 = arith.constant 0 : index
    %get3A_24 = vector.load %arg1[%get3A, %get3A_23] : memref<2048x1xi32, #tpu.memory_space<vmem>>, vector<2048x1xi32>
    %eq3A = vector.broadcast %get3A_24 : vector<2048x1xi32> to vector<2048x128xi32>
    %eq3A_25 = arith.cmpi eq, %select_n3A, %eq3A : vector<2048x128xi32>
    %get3A_26 = arith.constant 0 : index
    %get3A_27 = arith.constant 0 : index
    %get3A_28 = vector.load %arg3[%get3A_26, %get3A_27] : memref<2048x128xf32, #tpu.memory_space<vmem>>, vector<2048x128xf32>
    %jit3A_29 = arith.constant 0.000000e+00 : f32
    %broadcast_in_dim3A = vector.broadcast %jit3A_29 : f32 to vector<2048x128xf32>
    %select_n3A_30 = arith.select %eq3A_25, %get3A_28, %broadcast_in_dim3A : vector<2048x128xi1>, vector<2048x128xf32>
    %get3A_31 = arith.constant 0 : index
    %get3A_32 = arith.constant 0 : index
    %get3A_33 = vector.load %arg2[%get3A_31, %get3A_32] : memref<2048x1xi32, #tpu.memory_space<vmem>>, vector<2048x1xi32>
    %eq3A_34 = vector.broadcast %get3A_33 : vector<2048x1xi32> to vector<2048x128xi32>
    %eq3A_35 = arith.cmpi eq, %select_n3A, %eq3A_34 : vector<2048x128xi32>
    %get3A_36 = arith.constant 0 : index
    %get3A_37 = arith.constant 0 : index
    %get3A_38 = vector.load %arg4[%get3A_36, %get3A_37] : memref<2048x128xf32, #tpu.memory_space<vmem>>, vector<2048x128xf32>
    %jit3A_39 = arith.constant 0.000000e+00 : f32
    %broadcast_in_dim3A_40 = vector.broadcast %jit3A_39 : f32 to vector<2048x128xf32>
    %select_n3A_41 = arith.select %eq3A_35, %get3A_38, %broadcast_in_dim3A_40 : vector<2048x128xi1>, vector<2048x128xf32>
    %get3A_42 = arith.constant 0 : index
    %get3A_43 = arith.constant 0 : index
    %get3A_44 = vector.load %arg5[%get3A_42, %get3A_43] : memref<128x128xf32, #tpu.memory_space<vmem>>, vector<128x128xf32>
    %dot_general3A = arith.constant dense<0.000000e+00> : vector<2048x128xf32>
    %dot_general3A_45 = tpu.matmul %select_n3A_30, %get3A_44, %dot_general3A {dimension_numbers = #tpu.dot_dimension_numbers<[1], [0], [0], [1], [0, 0, 1, 1], [], []>, transpose_lhs_hint = false} : vector<2048x128xf32>, vector<128x128xf32>, vector<2048x128xf32> -> vector<2048x128xf32>
    %get3A_46 = arith.constant 0 : index
    %get3A_47 = arith.constant 0 : index
    %get3A_48 = vector.load %arg6[%get3A_46, %get3A_47] : memref<128x128xf32, #tpu.memory_space<vmem>>, vector<128x128xf32>
    %dot_general3A_49 = arith.constant dense<0.000000e+00> : vector<2048x128xf32>
    %dot_general3A_50 = tpu.matmul %select_n3A_41, %get3A_48, %dot_general3A_49 {dimension_numbers = #tpu.dot_dimension_numbers<[1], [0], [0], [1], [0, 0, 1, 1], [], []>, transpose_lhs_hint = false} : vector<2048x128xf32>, vector<128x128xf32>, vector<2048x128xf32> -> vector<2048x128xf32>
    %add3A = arith.addf %dot_general3A_45, %dot_general3A_50 : vector<2048x128xf32>
    %get3A_51 = arith.constant 0 : index
    %get3A_52 = arith.constant 0 : index
    %get3A_53 = vector.load %arg7[%get3A_51, %get3A_52] : memref<1x128xf32, #tpu.memory_space<vmem>>, vector<1x128xf32>
    %add3A_54 = vector.broadcast %get3A_53 : vector<1x128xf32> to vector<2048x128xf32>
    %add3A_55 = arith.addf %add3A, %add3A_54 : vector<2048x128xf32>
    %max3A = arith.constant 0.000000e+00 : f32
    %max3A_56 = vector.broadcast %max3A : f32 to vector<2048x128xf32>
    %max3A_57 = arith.maximumf %add3A_55, %max3A_56 : vector<2048x128xf32>
    %get3A_58 = arith.constant 0 : index
    %get3A_59 = arith.constant 0 : index
    %get3A_60 = vector.load %arg8[%get3A_58, %get3A_59] : memref<1x128xf32, #tpu.memory_space<vmem>>, vector<1x128xf32>
    %mul3A = vector.broadcast %get3A_60 : vector<1x128xf32> to vector<2048x128xf32>
    %mul3A_61 = arith.mulf %max3A_57, %mul3A : vector<2048x128xf32>
    %reduce_sum3A = arith.constant dense<0.000000e+00> : vector<2048xf32>
    %reduce_sum3A_62 = vector.multi_reduction <add>, %mul3A_61, %reduce_sum3A [1] : vector<2048x128xf32> to vector<2048xf32>
    %get3A_63 = arith.constant 0 : index
    %get3A_64 = arith.constant 0 : index
    %get3A_65 = vector.load %arg9[%get3A_63, %get3A_64] : memref<1x1xf32, #tpu.memory_space<vmem>>, vector<1x1xf32>
    %get3A_66 = vector.extract %get3A_65[0, 0] : f32 from vector<1x1xf32>
    %add3A_67 = vector.broadcast %get3A_66 : f32 to vector<2048xf32>
    %add3A_68 = arith.addf %reduce_sum3A_62, %add3A_67 : vector<2048xf32>
    %swap3A = arith.constant 0 : index
    %swap3A_69 = vector.load %arg10[%swap3A] : memref<2048xf32, #tpu.memory_space<vmem>>, vector<2048xf32>
    tpu.vector_store %arg10[%swap3A], %add3A_68 {strides = array<i32>} : memref<2048xf32, #tpu.memory_space<vmem>>, vector<2048xf32>,
    return
  }
  func.func @transform_0(%arg0: i32) -> (i32, i32) {
    %c0_i32 = arith.constant 0 : i32
    %c0_i32_0 = arith.constant 0 : i32
    return %arg0, %c0_i32 : i32, i32
  }
  func.func @transform_1(%arg0: i32) -> (i32, i32) {
    %c0_i32 = arith.constant 0 : i32
    %c0_i32_0 = arith.constant 0 : i32
    return %arg0, %c0_i32 : i32, i32
  }
  func.func @transform_2(%arg0: i32) -> (i32, i32) {
    %c0_i32 = arith.constant 0 : i32
    %c0_i32_0 = arith.constant 0 : i32
    return %arg0, %c0_i32 : i32, i32
  }
  func.func @transform_3(%arg0: i32) -> (i32, i32) {
    %c0_i32 = arith.constant 0 : i32
    %c0_i32_0 = arith.constant 0 : i32
    return %arg0, %c0_i32 : i32, i32
  }
  func.func @transform_4(%arg0: i32) -> (i32, i32) {
    %c0_i32 = arith.constant 0 : i32
    %c0_i32_0 = arith.constant 0 : i32
    %c0_i32_1 = arith.constant 0 : i32
    return %c0_i32, %c0_i32_0 : i32, i32
  }
  func.func @transform_5(%arg0: i32) -> (i32, i32) {
    %c0_i32 = arith.constant 0 : i32
    %c0_i32_0 = arith.constant 0 : i32
    %c0_i32_1 = arith.constant 0 : i32
    return %c0_i32, %c0_i32_0 : i32, i32
  }
  func.func @transform_6(%arg0: i32) -> (i32, i32) {
    %c0_i32 = arith.constant 0 : i32
    %c0_i32_0 = arith.constant 0 : i32
    %c0_i32_1 = arith.constant 0 : i32
    return %c0_i32, %c0_i32_0 : i32, i32
  }
  func.func @transform_7(%arg0: i32) -> (i32, i32) {
    %c0_i32 = arith.constant 0 : i32
    %c0_i32_0 = arith.constant 0 : i32
    %c0_i32_1 = arith.constant 0 : i32
    return %c0_i32, %c0_i32_0 : i32, i32
  }
  func.func @transform_8(%arg0: i32) -> (i32, i32) {
    %c0_i32 = arith.constant 0 : i32
    %c0_i32_0 = arith.constant 0 : i32
    %c0_i32_1 = arith.constant 0 : i32
    return %c0_i32, %c0_i32_0 : i32, i32
  }
  func.func @transform_9(%arg0: i32) -> i32 {
    %c0_i32 = arith.constant 0 : i32
    return %arg0 : i32
  }
}

</mosaic_0001>

<sc_bundles>
// kernel: kernel.6.cloned.1.call-start
scs
__scs_entry_jumppad:
0x0: {  	(pc) =	sbr.rel $0x88, $3  }
0x1: {  	(tag) =	ssettag $0x0;
	lr =	simm.s32 $0x1  }
0x2: {  	[smem:$0x3F99] =	sst lr;
	_ =	strace $0xD0000000  }
0x3: {  	_ = 	snop  }
0x4: {  	_ = 	snop  }
0x5: {  	_ = 	snop  }
0x6: {  	_ = 	snop  }
0x7: {  	_ = 	snop  }
__scs_overlays_trampoline_lowered:
0x8: {  	[smem:$0x3FA8] =	sst s0  }
0x9: {  	[smem:$0x3FA9] =	sst s1  }
0xa: {  	[smem:$0x3FAA] =	sst s2  }
0xb: {  	[smem:$0x3FAB] =	sst s3  }
0xc: {  	[smem:$0x3FAC] =	sst s4  }
0xd: {  	[smem:$0x3FAD] =	sst s5  }
0xe: {  	[smem:$0x3FAE] =	sst s6  }
0xf: {  	[smem:$0x3FAF] =	sst s7  }
0x10: {  	[smem:$0x3FB0] =	sst s8  }
0x11: {  	[smem:$0x3FB1] =	sst s9;
	s0 =	simm.s32 @!p0 $0x0  }
0x12: {  	s1 =	sld [smem:$0x3F97];
	s0 =	simm.s32 @p0 $0x1  }
0x13: {  	[smem:$0x3FB2] =	sst s0;
	s0 =	simm.s32 @!p1 $0x0  }
0x14: {  	s2 =	sld [smem:$0x3F96];
	s0 =	simm.s32 @p1 $0x1  }
0x15: {  	[smem:$0x3FB3] =	sst s0;
	s0 =	simm.s32 @!p2 $0x0  }
0x16: {  	s3 =	sld [smem:$0x3FDB];
	s0 =	simm.s32 @p2 $0x1  }
0x17: {  	s4 =	simm.s32 $0x1BF5;
	[smem:$0x3FB5] =	sst s0  }
0x18: {  	s0 =	sld [smem:$0x3F98];
	_ =	swait.ge [sflag:s4], $0x0  }
0x19: {  	s7 =	sld [smem:$0x3F99]  }
0x1a: {  	s8 =	sadd.s32 $0xFFFFE003, lr  }
0x1b: {  	s9 =	sadd.s32 $0xFFFFFEF7, lr;
	s5 =	simm.s32 $0xFFFFFFFF;
	p2 =	slt.u32 s8, $0xFFFFF086  }
0x1c: {  	p1 =	slt.u32 s9, $0xF7A;
	s5 =	simm.s32 @!p2 $0x0  }
0x1d: {  	s5 =	simm.s32 @p1 $0x1;
	p0 =	seq.s32 s7, s2  }
0x1e: {  	s7 =	smul.u32 @!p0 $0xF7A, s2;
	p2 =	seq.s32 @!p0 s5, $0x0  }
0x1f: {  	s9 =	smul.u32 $0xF7A, s1;
	s8 =	simm.s32 @!p0 $0x1BF5;
	p2 =	por !p2, p0  }
0x20: {  	[sflag:s8] =	ssyncset.s32 @!p0 $0xFFFFF086;
	s6 =	sadd.s32 @!p0 s3, s7;
	s7 =	simm.s32 @!p0 $0x108  }
0x21: {  	s3 =	sadd.s32 s3, s9;
	s6 =	sadd.s32 @!p0 $0x88, s6;
	s7 =	simm.s32 @p2 $0x1082  }
0x22: {  	[simem:s7], [sflag:s8] =	dma.local @!p0 [hbm:s6], $0xF7A  }
0x23: {  	s9 =	sor.u32 $0xD0000000, s2;
	s6 =	simm.s32 $0x108;
	_ =	swait.ge @!p0 [sflag:s8], $0x0  }
0x24: {  	s3 =	sadd.s32 $0x88, s3;
	s6 =	simm.s32 @!p1 $0x1082;
	[sflag:s4] =	ssyncset.s32 $0xFFFFF086  }
0x25: {  	[simem:s6], [sflag:s4] =	dma.local [hbm:s3], $0xF7A  }
0x26: {  	[smem:$0x3F99] =	sst s1;
	(tag) =	ssettag s2;
	_ =	strace s9  }
0x27: {  	s1 =	sld [smem:$0x3FA9]  }
0x28: {  	s2 =	sld [smem:$0x3FAA]  }
0x29: {  	s4 =	sld [smem:$0x3FAC]  }
0x2a: {  	p0 =	seq.s32 s5, $0x0;
	s5 =	sld [smem:$0x3FAD]  }
0x2b: {  	s6 =	sld [smem:$0x3FAE]  }
0x2c: {  	s7 =	sld [smem:$0x3FAF]  }
0x2d: {  	s3 =	simm.s32 $0x108;
	s8 =	sld [smem:$0x3FB0]  }
0x2e: {  	s3 =	simm.s32 @!p0 $0x1082;
	s9 =	sld [smem:$0x3FB1]  }
0x2f: {  	lr =	sadd.s32 s0, s3;
	s0 =	sld [smem:$0x3FA8]  }
0x30: {  	s3 =	sld [smem:$0x3FAB]  }
0x31: {  	[smem:$0x3FB4] =	sst s10  }
0x32: {  	s10 =	sld [smem:$0x3FB2];
	_ =	sdelay $0x3  }
0x33: {  	p0 =	seq.s32 s10, $0x1;
	s10 =	sld [smem:$0x3FB4];
	_ =	sdelay $0x3  }
0x34: {  	[smem:$0x3FB4] =	sst s10  }
0x35: {  	s10 =	sld [smem:$0x3FB3];
	_ =	sdelay $0x3  }
0x36: {  	p1 =	seq.s32 s10, $0x1;
	s10 =	sld [smem:$0x3FB4];
	_ =	sdelay $0x3  }
0x37: {  	[smem:$0x3FB4] =	sst s10  }
0x38: {  	s10 =	sld [smem:$0x3FB5]  }
0x39: {  	_ = 	snop;
	(pc) =	sbr.ind lr, $3  }
0x3a: {  	_ = 	snop  }
0x3b: {  	_ = 	snop  }
0x3c: {  	p2 =	seq.s32 s10, $0x1;
	s10 =	sld [smem:$0x3FB4]  }
0x3d: {  	_ =	shalt  }
0x3e: {  	_ =	shalt  }
0x3f: {  	_ =	shalt  }
0x40: {  	_ =	shalt  }
0x41: {  	_ =	shalt  }
0x42: {  	_ =	shalt  }
0x43: {  	_ =	shalt  }
0x44: {  	_ =	shalt  }
0x45: {  	_ =	shalt  }
0x46: {  	_ =	shalt  }
0x47: {  	_ =	shalt  }
0x48: {  	_ =	shalt  }
0x49: {  	_ =	shalt  }
0x4a: {  	_ =	shalt  }
0x4b: {  	_ =	shalt  }
0x4c: {  	_ =	shalt  }
0x4d: {  	_ =	shalt  }
0x4e: {  	_ =	shalt  }
0x4f: {  	_ =	shalt  }
0x50: {  	_ =	shalt  }
0x51: {  	_ =	shalt  }
0x52: {  	_ =	shalt  }
0x53: {  	_ =	shalt  }
0x54: {  	_ =	shalt  }
0x55: {  	_ =	shalt  }
0x56: {  	_ =	shalt  }
0x57: {  	_ =	shalt  }
0x58: {  	_ =	shalt  }
0x59: {  	_ =	shalt  }
0x5a: {  	_ =	shalt  }
0x5b: {  	_ =	shalt  }
0x5c: {  	_ =	shalt  }
0x5d: {  	_ =	shalt  }
0x5e: {  	_ =	shalt  }
0x5f: {  	_ =	shalt  }
0x60: {  	_ =	shalt  }
0x61: {  	_ =	shalt  }
0x62: {  	_ =	shalt  }
0x63: {  	_ =	shalt  }
0x64: {  	_ =	shalt  }
0x65: {  	_ =	shalt  }
0x66: {  	_ =	shalt  }
0x67: {  	_ =	shalt  }
0x68: {  	_ =	shalt  }
0x69: {  	_ =	shalt  }
0x6a: {  	_ =	shalt  }
0x6b: {  	_ =	shalt  }
0x6c: {  	_ =	shalt  }
0x6d: {  	_ =	shalt  }
0x6e: {  	_ =	shalt  }
0x6f: {  	_ =	shalt  }
0x70: {  	_ =	shalt  }
0x71: {  	_ =	shalt  }
0x72: {  	_ =	shalt  }
0x73: {  	_ =	shalt  }
0x74: {  	_ =	shalt  }
0x75: {  	_ =	shalt  }
0x76: {  	_ =	shalt  }
0x77: {  	_ =	shalt  }
0x78: {  	_ =	shalt  }
0x79: {  	_ =	shalt  }
0x7a: {  	_ =	shalt  }
0x7b: {  	_ =	shalt  }
0x7c: {  	_ =	shalt  }
0x7d: {  	_ =	shalt  }
0x7e: {  	_ =	shalt  }
0x7f: {  	_ =	shalt  }
0x80: {  	_ =	shalt  }
0x81: {  	_ =	shalt  }
0x82: {  	_ =	shalt  }
0x83: {  	_ =	shalt  }
0x84: {  	_ =	shalt  }
0x85: {  	_ =	shalt  }
0x86: {  	_ =	shalt  }
0x87: {  	_ =	shalt  }
.Lfunc_end0:
.L_simem_size_0:
called_computation_lowered:
.L_overlay_start_0:
0x88: {  	s2 =	sld [smem:$0x3FD9]  }
0x89: {  	s3 =	sld [smem:$0x3FFE];
	_ =	sdelay $0x1  }
0x8a: {  	s1 =	srdreg.scid  }
0x8b: {  	s0 =	sand.u32 $0x1, s1  }
0x8c: {  	s17 =	sshll.u32 s0, $0xA;
	s2 =	sadd.s32 s3, s2  }
0x8d: {  	s2 =	sadd.s32 s2, s17  }
0x8e: {  	[smem:$0x3FC0] =	sst s2  }
0x8f: {  	_ = 	snop  }
0x90: {  	s2 =	sld [smem:$0x3FD0];
	(tm) =	ssettm $0x1  }
0x91: {  	s18 =	sld [smem:$0x3FFB];
	_ =	sdelay $0x3  }
0x92: {  	_ =	strace s18  }
0x93: {  	s3 =	sld [smem:$0x3FFC];
	_ =	sdelay $0x3  }
0x94: {  	_ =	strace s3  }
0x95: {  	s3 =	sld [smem:$0x3FFD];
	_ =	sdelay $0x3  }
0x96: {  	_ =	strace s3  }
0x97: {  	_ =	strace $0x8FFFFFFF  }
0x98: {  	s19 =	sld [smem:$0x3FDB];
	_ =	sdelay $0x1  }
0x99: {  	s4 =	simm.s32 $_scs_section_size  }
0x9a: {  	s5 =	simm.s32 $_size__tile_overlayer_lowered;
	s6 =	simm.s32 $_tile_overlayer_lowered  }
0x9b: {  	s22 =	simm.s32 $0x1BFF;
	s21 =	sshll.u32 s6, $0x1;
	s3 =	sadd.s32 s4, s19  }
0x9c: {  	s7 =	simm.s32 $0x0;
	s20 =	sshll.u32 s5, $0x1;
	s5 =	sadd.s32 s21, s3  }
0x9d: {  	[timem:s7], [sflag:s22] =	dma.local [hbm:s5], s20  }
0x9e: {  	_ =	swait.ge [sflag:s22], s20  }
0x9f: {  	s4 =	ssub.s32 $0x0, s20;
	[sflag:s22] =	ssyncset.done $0x0  }
0xa0: {  	[sflag:s22] =	ssyncadd.s32 s4;
	_ =	sdelay $0x1  }
0xa1: {  	s23 =	simm.s32 $0x1B8B  }
0xa2: {  	_ =	swait.ge [sflag:s23], $0x1  }
0xa3: {  	[sflag:s23] =	ssyncset.done $0x0  }
0xa4: {  	s25 =	simm.s32 $0x1B8E;
	s24 =	sld [smem:$0x3FFE];
	[sflag:s23] =	ssyncadd.s32 $0xFFFFFFFF  }
0xa5: {  	s26 =	simm.s32 $execute0_lowered;
	[smem:$0x3FD2] =	sst s25  }
0xa6: {  	s5 =	sshll.u32 s26, $0x1;
	_ =	strace $0x80000046;
	[dreg:$0x1] =	wrdreg $0xFFFFFFFF  }
0xa7: {  	s28 =	simm.s32 $_size_execute0_lowered;
	s3 =	sadd.s32 s3, s5;
	[dreg:$0x0] =	wrdreg $0x0  }
0xa8: {  	s5 =	sshll.u32 s28, $0x1;
	[dreg:$0x2] =	wrdreg s3  }
0xa9: {  	[dreg:$0x3] =	wrdreg s5  }
0xaa: {  	[dreg:$0x4] =	wrdreg $0xC0  }
0xab: {  	_ =	task [dreg:s7], $0x5FFFF  }
0xac: {  	[dreg:$0x1] =	wrdreg $0xFFFFFFFF  }
0xad: {  	[dreg:$0x0] =	wrdreg $0x60  }
0xae: {  	[dreg:$0x2] =	wrdreg s24  }
0xaf: {  	[dreg:$0x3] =	wrdreg s2  }
0xb0: {  	[dreg:$0x4] =	wrdreg $0x9  }
0xb1: {  	_ =	task.clear_ibuf [dreg:s7], $0x5FFFF;
	_ =	strace $0x90000046  }
0xb2: {  	s29 =	simm.s32 $0x9;
	_ =	strace $0x80000048  }
0xb3: {  	_ =	swait.ge [sflag:s29], $0x1  }
0xb4: {  	[sflag:s29] =	ssyncadd.s32 $0xFFFFFFFF  }
0xb5: {  	_ =	strace $0x90000048  }
0xb6: {  	_ =	sfence  }
0xb7: {  	s30 =	sld [smem:$0x0];
	_ =	sdelay $0x2  }
0xb8: {  	s31 =	sshll.u32 s1, $0xD;
	s1 =	sshrl.u32 s1, $0x2  }
0xb9: {  	s3 =	sand.u32 $0x4000, s31;
	s1 =	sadd.s32 s1, s30  }
0xba: {  	s0 =	sor.u32 s3, s0;
	s1 =	sshll.u32 s1, $0x11  }
0xbb: {  	s0 =	sor.u32 s1, s0  }
0xbc: {  	s0 =	sadd.s32 $0x8F2B, s0  }
0xbd: {  	[sflag:s0] =	ssyncadd.remote.s32 $0x1  }
0xbe: {  	_ =	sfence.sel $0xFFFF  }
0xbf: {  	[dreg:$0x0] =	wrdreg $0xFFFFFFFF;
	(pc) =	sbr.abs _section_cstart, $3  }
0xc0: {  	[dreg:$0x1] =	wrdreg $0xFFFFFFFF  }
0xc1: {  	_ =	task.clear_ibuf [dreg:s7], $0x2FFFF;
	_ =	strace $0x9FFFFFFF  }
0xc2: {  	(tm) =	ssettm $0x7FFFFFFF  }
0xc3: {  	_ =	shalt  }
tec
execute0_lowered:
.L_overlay_start_1:
0x0: {  	(tag) =	ssettag $0x1  }
0x1: {  	s17 =	rddreg [dreg:$0x0]  }
0x2: {  	s1 =	srdreg.scid;
	s0 =	stileid.u32  }
0x3: {  	s3 =	rddreg [dreg:$0x1];
	s21 =	sand.u32 $0x1, s1;
	s4 =	sshll.u32 s0, $0x1  }
0x4: {  	s2 =	simm.s32 $0x0;
	s1 =	rddreg [dreg:$0x2];
	s16 =	sor.u32 s21, s4  }
0x5: {  	[smem:$0x7FF] =	sst s2;
	s5 =	sshll.u32 s16, $0x6  }
0x6: {  	_ =	strace $0x80000047;
	s4 =	sadd.s32 s3, s5;
	s3 =	simm.s32 $0x2  }
0x7: {  	[tilespmem:s2], [sflag:$0x2] =	stream.linear.gather [hbm4b:s4+s2], $0x200, $0x38;
	[tilespmem:$0x10400] =	vst v63  }
0x8: {  	_ =	swait.ge [sflag:s3], $0x200  }
0x9: {  	s5 =	sadd.s32 s5, s17;
	[sflag:s3] =	ssyncset.done $0x0  }
0xa: {  	s6 =	simm.s32 $0x200;
	s5 =	sadd.s32 $0x2000, s5;
	[sflag:s3] =	ssyncadd.s32 $0xFFFFFE00  }
0xb: {  	[tilespmem:s6], [sflag:$0x2] =	stream.linear.gather [hbm4b:s5+s2], $0x200, $0x38;
	[tilespmem:$0x10400] =	vst v63  }
0xc: {  	_ =	swait.ge [sflag:s3], $0x200  }
0xd: {  	s8 =	simm.s32 $0x80;
	[sflag:s3] =	ssyncset.done $0x0  }
0xe: {  	s9 =	simm.s32 $0x400;
	s7 =	sadd.s32 $0x1EB600, s17;
	[sflag:s3] =	ssyncadd.s32 $0xFFFFFE00  }
0xf: {  	[tilespmem:s9], [sflag:$0x1] =	stream.indirect.gather [hbm4b:s7+s8], $0x80, s2, s8, $0xb8;
	[tilespmem:$0x10400] =	vst v63  }
0x10: {  	s10 =	simm.s32 $0x4400  }
0x11: {  	[tilespmem:s10], [sflag:$0x1] =	stream.indirect.gather [hbm4b:s7+s8], $0x80, s8, s8, $0xb8;
	[tilespmem:$0x10400] =	vst v63  }
0x12: {  	s11 =	simm.s32 $0x100;
	s12 =	simm.s32 $0x8400  }
0x13: {  	[tilespmem:s12], [sflag:$0x1] =	stream.indirect.gather [hbm4b:s7+s8], $0x80, s11, s8, $0xb8;
	[tilespmem:$0x10400] =	vst v63  }
0x14: {  	s13 =	simm.s32 $0x180;
	s14 =	simm.s32 $0xC400;
	s15 =	simm.s32 $0x1  }
0x15: {  	[tilespmem:s14], [sflag:$0x1] =	stream.indirect.gather [hbm4b:s7+s8], $0x80, s13, s8, $0xb8;
	[tilespmem:$0x10400] =	vst v63  }
0x16: {  	_ =	swait.ge [sflag:s15], $0x4000  }
0x17: {  	[sflag:s15] =	ssyncset.done $0x0  }
0x18: {  	[sflag:s15] =	ssyncadd.s32 $0xFFFFC000  }
0x19: {  	_ =	swait.ge [sflag:s15], $0x4000  }
0x1a: {  	[sflag:s15] =	ssyncset.done $0x0  }
0x1b: {  	[sflag:s15] =	ssyncadd.s32 $0xFFFFC000  }
0x1c: {  	_ =	swait.ge [sflag:s15], $0x4000  }
0x1d: {  	[sflag:s15] =	ssyncset.done $0x0  }
0x1e: {  	[sflag:s15] =	ssyncadd.s32 $0xFFFFC000  }
0x1f: {  	s16 =	sshll.u32 s16, $0xD;
	_ =	swait.ge [sflag:s15], $0x4000  }
0x20: {  	s22 =	sadd.s32 s16, s17;
	[sflag:s15] =	ssyncset.done $0x0  }
0x21: {  	s16 =	sadd.s32 $0x3D3C00, s22;
	[sflag:s15] =	ssyncadd.s32 $0xFFFFC000  }
0x22: {  	[hbm4b:s16+s2] =	stream.linear.scatter [tilespmem:s9], [sflag:$0x2], $0x10000, $0x38;
	[tilespmem:$0x10400] =	vst v63  }
0x23: {  	_ =	swait.ge [sflag:s3], $0x10000  }
0x24: {  	[sflag:s3] =	ssyncset.done $0x0  }
0x25: {  	s17 =	sadd.s32 $0x3000, s17;
	[sflag:s3] =	ssyncadd.s32 $0xFFFF0000  }
0x26: {  	[tilespmem:s9], [sflag:$0x1] =	stream.indirect.gather [hbm4b:s17+s8], $0x80, s6, s8, $0xb8;
	[tilespmem:$0x10400] =	vst v63  }
0x27: {  	s18 =	simm.s32 $0x280  }
0x28: {  	[tilespmem:s10], [sflag:$0x1] =	stream.indirect.gather [hbm4b:s17+s8], $0x80, s18, s8, $0xb8;
	[tilespmem:$0x10400] =	vst v63  }
0x29: {  	s19 =	simm.s32 $0x300  }
0x2a: {  	[tilespmem:s12], [sflag:$0x1] =	stream.indirect.gather [hbm4b:s17+s8], $0x80, s19, s8, $0xb8;
	[tilespmem:$0x10400] =	vst v63  }
0x2b: {  	s20 =	simm.s32 $0x380  }
0x2c: {  	[tilespmem:s14], [sflag:$0x1] =	stream.indirect.gather [hbm4b:s17+s8], $0x80, s20, s8, $0xb8;
	[tilespmem:$0x10400] =	vst v63  }
0x2d: {  	_ =	swait.ge [sflag:s15], $0x4000  }
0x2e: {  	[sflag:s15] =	ssyncset.done $0x0  }
0x2f: {  	[sflag:s15] =	ssyncadd.s32 $0xFFFFC000  }
0x30: {  	_ =	swait.ge [sflag:s15], $0x4000  }
0x31: {  	[sflag:s15] =	ssyncset.done $0x0  }
0x32: {  	s21 =	ssub.s32 $0x2, s21;
	[sflag:s15] =	ssyncadd.s32 $0xFFFFC000  }
0x33: {  	s23 =	sshrl.u32 s21, $0x1;
	_ =	swait.ge [sflag:s15], $0x4000  }
0x34: {  	s23 =	ssub.s32 s21, s23;
	[sflag:s15] =	ssyncset.done $0x0  }
0x35: {  	s31 =	smax.u32 s23, $0x1;
	[sflag:s15] =	ssyncadd.s32 $0xFFFFC000  }
0x36: {  	p0 =	sne.s32 s31, $0x1;
	_ =	swait.ge [sflag:s15], $0x4000  }
.Ltmp0:
0x37: {  	[sflag:s15] =	ssyncset.done $0x0;
	(pc) =	sbr.rel @!p0 .LBB2_2-.Ltmp0, $4  }
0x38: {  	s21 =	sadd.s32 $0x413C00, s22;
	[sflag:s15] =	ssyncadd.s32 $0xFFFFC000  }
0x39: {  	[hbm4b:s21+s2] =	stream.linear.scatter [tilespmem:s9], [sflag:$0x2], $0x10000, $0x38;
	[tilespmem:$0x10400] =	vst v63  }
0x3a: {  	_ =	swait.ge [sflag:s3], $0x10000  }
0x3b: {  	s22 =	sadd.s32 $0xFFFFFFFF, s31;
	[sflag:s3] =	ssyncset.done $0x0  }
.LBB2_1:
0x3c: {  	p0 =	sne.s32 s22, $0x1;
	s22 =	sadd.s32 $0xFFFFFFFF, s22;
	[sflag:s3] =	ssyncadd.s32 $0xFFFF0000  }
0x3d: {  	[tilespmem:s2], [sflag:$0x2] =	stream.linear.gather [hbm4b:s4+s2], $0x200, $0x38;
	[tilespmem:$0x10400] =	vst v63  }
0x3e: {  	_ =	swait.ge [sflag:s3], $0x200  }
0x3f: {  	[sflag:s3] =	ssyncset.done $0x0  }
0x40: {  	[sflag:s3] =	ssyncadd.s32 $0xFFFFFE00  }
0x41: {  	[tilespmem:s6], [sflag:$0x2] =	stream.linear.gather [hbm4b:s5+s2], $0x200, $0x38;
	[tilespmem:$0x10400] =	vst v63  }
0x42: {  	_ =	swait.ge [sflag:s3], $0x200  }
0x43: {  	[sflag:s3] =	ssyncset.done $0x0  }
0x44: {  	[sflag:s3] =	ssyncadd.s32 $0xFFFFFE00  }
0x45: {  	[tilespmem:s9], [sflag:$0x1] =	stream.indirect.gather [hbm4b:s7+s8], $0x80, s2, s8, $0xb8;
	[tilespmem:$0x10400] =	vst v63  }
0x46: {  	_ = 	snop  }
0x47: {  	[tilespmem:s10], [sflag:$0x1] =	stream.indirect.gather [hbm4b:s7+s8], $0x80, s8, s8, $0xb8;
	[tilespmem:$0x10400] =	vst v63  }
0x48: {  	_ = 	snop  }
0x49: {  	[tilespmem:s12], [sflag:$0x1] =	stream.indirect.gather [hbm4b:s7+s8], $0x80, s11, s8, $0xb8;
	[tilespmem:$0x10400] =	vst v63  }
0x4a: {  	_ = 	snop  }
0x4b: {  	[tilespmem:s14], [sflag:$0x1] =	stream.indirect.gather [hbm4b:s7+s8], $0x80, s13, s8, $0xb8;
	[tilespmem:$0x10400] =	vst v63  }
0x4c: {  	_ =	swait.ge [sflag:s15], $0x4000  }
0x4d: {  	[sflag:s15] =	ssyncset.done $0x0  }
0x4e: {  	[sflag:s15] =	ssyncadd.s32 $0xFFFFC000  }
0x4f: {  	_ =	swait.ge [sflag:s15], $0x4000  }
0x50: {  	[sflag:s15] =	ssyncset.done $0x0  }
0x51: {  	[sflag:s15] =	ssyncadd.s32 $0xFFFFC000  }
0x52: {  	_ =	swait.ge [sflag:s15], $0x4000  }
0x53: {  	[sflag:s15] =	ssyncset.done $0x0  }
0x54: {  	[sflag:s15] =	ssyncadd.s32 $0xFFFFC000  }
0x55: {  	_ =	swait.ge [sflag:s15], $0x4000  }
0x56: {  	[sflag:s15] =	ssyncset.done $0x0  }
0x57: {  	[sflag:s15] =	ssyncadd.s32 $0xFFFFC000  }
0x58: {  	[hbm4b:s16+s2] =	stream.linear.scatter [tilespmem:s9], [sflag:$0x2], $0x10000, $0x38;
	[tilespmem:$0x10400] =	vst v63  }
0x59: {  	_ =	swait.ge [sflag:s3], $0x10000  }
0x5a: {  	[sflag:s3] =	ssyncset.done $0x0  }
0x5b: {  	[sflag:s3] =	ssyncadd.s32 $0xFFFF0000  }
0x5c: {  	[tilespmem:s9], [sflag:$0x1] =	stream.indirect.gather [hbm4b:s17+s8], $0x80, s6, s8, $0xb8;
	[tilespmem:$0x10400] =	vst v63  }
0x5d: {  	_ = 	snop  }
0x5e: {  	[tilespmem:s10], [sflag:$0x1] =	stream.indirect.gather [hbm4b:s17+s8], $0x80, s18, s8, $0xb8;
	[tilespmem:$0x10400] =	vst v63  }
0x5f: {  	_ = 	snop  }
0x60: {  	[tilespmem:s12], [sflag:$0x1] =	stream.indirect.gather [hbm4b:s17+s8], $0x80, s19, s8, $0xb8;
	[tilespmem:$0x10400] =	vst v63  }
0x61: {  	_ = 	snop  }
0x62: {  	[tilespmem:s14], [sflag:$0x1] =	stream.indirect.gather [hbm4b:s17+s8], $0x80, s20, s8, $0xb8;
	[tilespmem:$0x10400] =	vst v63  }
0x63: {  	_ =	swait.ge [sflag:s15], $0x4000  }
0x64: {  	[sflag:s15] =	ssyncset.done $0x0  }
0x65: {  	[sflag:s15] =	ssyncadd.s32 $0xFFFFC000  }
0x66: {  	_ =	swait.ge [sflag:s15], $0x4000  }
0x67: {  	[sflag:s15] =	ssyncset.done $0x0  }
0x68: {  	[sflag:s15] =	ssyncadd.s32 $0xFFFFC000  }
0x69: {  	_ =	swait.ge [sflag:s15], $0x4000  }
0x6a: {  	[sflag:s15] =	ssyncset.done $0x0  }
0x6b: {  	[sflag:s15] =	ssyncadd.s32 $0xFFFFC000  }
0x6c: {  	_ =	swait.ge [sflag:s15], $0x4000  }
.Ltmp1:
0x6d: {  	[sflag:s15] =	ssyncset.done $0x0;
	(pc) =	sbr.rel @p0 .LBB2_1-.Ltmp1, $4  }
0x6e: {  	[sflag:s15] =	ssyncadd.s32 $0xFFFFC000  }
0x6f: {  	[hbm4b:s21+s2] =	stream.linear.scatter [tilespmem:s9], [sflag:$0x2], $0x10000, $0x38;
	[tilespmem:$0x10400] =	vst v63  }
0x70: {  	_ =	swait.ge [sflag:s3], $0x10000  }
0x71: {  	[sflag:s3] =	ssyncset.done $0x0  }
.LBB2_2:
0x72: {  	[sflag:s3] =	ssyncadd.s32 $0xFFFF0000  }
0x73: {  	_ =	sfence.sel $0x180000  }
0x74: {  	[bflag:$0x0] =	sbarrier.arrive $0xFFFF  }
0x75: {  	p0 =	sne.s32 s0, $0x0;
	_ =	strace $0x90000047  }
0x76: {  	s0 =	sadd.s32 @!p0 $0x100000, s1;
	[bflag:$0x2] =	sbarrier.arrive $0xFFFF  }
0x77: {  	[sflag:s0] =	ssyncadd.tile.s32 @!p0 $0x1;
	_ =	shalt  }
.Lfunc_end2:
_tile_overlayer_lowered:
.L_overlay_start_2:
0x78: {  	(tag) =	ssettag $0x2  }
0x79: {  	s0 =	rddreg [dreg:$0x0];
	s2 =	stileid.u32  }
0x7a: {  	s1 =	rddreg [dreg:$0x1];
	p0 =	sne.s32 s2, $0x0  }
0x7b: {  	s3 =	rddreg [dreg:$0x2];
	[bflag:$0x3] =	sbarrier.arrive $0xFFFF;
	s2 =	simm.s32 @!p0 $0x1C02  }
0x7c: {  	[timem:s3], [sflag:s2] =	dma.local @!p0 [hbm:s0], s1  }
0x7d: {  	s0 =	simm.s32 @!p0 $0x2  }
0x7e: {  	_ =	swait.ge @!p0 [sflag:s0], s1  }
0x7f: {  	s1 =	ssub.s32 @!p0 $0x0, s1;
	[sflag:s0] =	ssyncset.done @!p0 $0x0  }
0x80: {  	[sflag:s0] =	ssyncadd.s32 @!p0 s1  }
0x81: {  	[bflag:$0x3] =	sbarrier.arrive $0xFFFF  }
0x82: {  	_ =	shalt  }

</sc_bundles>
